<compile_context>
chip_gen: v7x
topology: tpu7x:2x2x1
jax: 0.10.2.dev20260603
libtpu: 0.0.44.dev20260713+nightly
codegen_flags: <defaults>
</compile_context>

<pallas_src>
import jax
import jax.numpy as jnp
from jax import lax
from jax.experimental import pallas as pl
from jax.experimental.pallas import tpu as pltpu
from jax.experimental.pallas import tpu_sc as plsc

N_NODES = 10000
N_EDGES = 320000
D_IN = 128
D_HALF = D_IN // 2
D_HID = 256

NC = 2
NS = 16
EDGES_PER_TILE = N_EDGES // NS
EB = 80
PHASES = 1
PCHUNK = EDGES_PER_TILE // EB // PHASES
INIT_ROWS = N_NODES // NS


def _sc_agg_body(x_hbm, src_hbm, dst_hbm, parts_hbm,
                 x_sp, acc, idx_src, idx_dst, rows0, rows1, sem0, sem1):
    cid = lax.axis_index("c")
    sid = lax.axis_index("s")
    csl = pl.ds(cid * D_HALF, D_HALF)

    rsl = pl.ds(sid * INIT_ROWS, INIT_ROWS)
    pltpu.sync_copy(x_hbm.at[rsl, csl], x_sp.at[rsl])
    pltpu.sync_copy(x_hbm.at[rsl, csl], acc.at[rsl])
    plsc.subcore_barrier()

    bufs = ((rows0, sem0), (rows1, sem1))

    for p in range(PHASES):
        psl = pl.ds(p * PCHUNK, PCHUNK)
        pltpu.sync_copy(src_hbm.at[sid, psl], idx_src)
        pltpu.sync_copy(dst_hbm.at[sid, psl], idx_dst)

        pltpu.async_copy(x_sp.at[idx_src.at[0]], rows0, sem0)

        @pl.loop(0, PCHUNK - 2, step=2)
        def _(j):
            for b in range(2):
                cj = j + b
                buf, sem = bufs[b]
                nbuf, nsem = bufs[1 - b]
                pltpu.make_async_copy(x_sp.at[idx_src.at[0]], buf, sem).wait()
                pltpu.async_copy(x_sp.at[idx_src.at[cj + 1]], nbuf, nsem)
                pltpu.sync_copy(buf, acc.at[idx_dst.at[cj]], add=True)

        pltpu.make_async_copy(x_sp.at[idx_src.at[0]], rows0, sem0).wait()
        pltpu.async_copy(x_sp.at[idx_src.at[PCHUNK - 1]], rows1, sem1)
        pltpu.sync_copy(rows0, acc.at[idx_dst.at[PCHUNK - 2]], add=True)
        pltpu.make_async_copy(x_sp.at[idx_src.at[0]], rows1, sem1).wait()
        pltpu.sync_copy(rows1, acc.at[idx_dst.at[PCHUNK - 1]], add=True)

    plsc.subcore_barrier()

    pltpu.sync_copy(acc.at[rsl], parts_hbm.at[rsl, csl])


@jax.jit
def _sc_agg(x, src, dst):
    src_r = src.reshape(NS, PHASES * PCHUNK, EB)
    dst_r = dst.reshape(NS, PHASES * PCHUNK, EB)
    mesh = plsc.VectorSubcoreMesh(core_axis_name="c", subcore_axis_name="s")
    return pl.kernel(
        _sc_agg_body,
        out_type=jax.ShapeDtypeStruct((N_NODES, D_IN), jnp.float32),
        mesh=mesh,
        compiler_params=pltpu.CompilerParams(use_tc_tiling_on_sc=False),
        scratch_types=[
            pltpu.VMEM_SHARED((N_NODES, D_HALF), jnp.float32),
            pltpu.VMEM_SHARED((N_NODES, D_HALF), jnp.float32),
            pltpu.VMEM((PCHUNK, EB), jnp.int32),
            pltpu.VMEM((PCHUNK, EB), jnp.int32),
            pltpu.VMEM((EB, D_HALF), jnp.float32),
            pltpu.VMEM((EB, D_HALF), jnp.float32),
            pltpu.SemaphoreType.DMA,
            pltpu.SemaphoreType.DMA,
        ],
    )(x, src_r, dst_r)


ROW_BLK = 1000
N_BLKS = N_NODES // ROW_BLK


def _tc_mlp_bn_body(p_ref, w1_ref, b1_ref, w2_ref, b2_ref,
                    gamma_ref, beta_ref, out_ref, stats_ref):
    i = pl.program_id(0)
    h1 = jnp.maximum(
        jnp.dot(p_ref[...], w1_ref[...], preferred_element_type=jnp.float32)
        + b1_ref[...],
        0.0)
    h2 = jnp.maximum(
        jnp.dot(h1, w2_ref[...], preferred_element_type=jnp.float32) + b2_ref[...],
        0.0)
    out_ref[pl.ds(i * ROW_BLK, ROW_BLK), :] = h2
    s = jnp.sum(h2, axis=0, keepdims=True)
    q = jnp.sum(h2 * h2, axis=0, keepdims=True)

    @pl.when(i == 0)
    def _():
        stats_ref[0:1, :] = s
        stats_ref[1:2, :] = q

    @pl.when(i > 0)
    def _():
        stats_ref[0:1, :] += s
        stats_ref[1:2, :] += q

    @pl.when(i == N_BLKS - 1)
    def _():
        mean = stats_ref[0:1, :] / N_NODES
        var = stats_ref[1:2, :] / N_NODES - mean * mean
        inv = lax.rsqrt(var + 1e-5) * gamma_ref[...]
        out_ref[...] = (out_ref[...] - mean) * inv + beta_ref[...]


@jax.jit
def _tc_mlp_bn(p, W1, b1, W2, b2, gamma, beta):
    return pl.pallas_call(
        _tc_mlp_bn_body,
        grid=(N_BLKS,),
        in_specs=[
            pl.BlockSpec((ROW_BLK, D_IN), lambda i: (i, 0)),
            pl.BlockSpec((D_IN, D_HID), lambda i: (0, 0)),
            pl.BlockSpec((1, D_HID), lambda i: (0, 0)),
            pl.BlockSpec((D_HID, D_HID), lambda i: (0, 0)),
            pl.BlockSpec((1, D_HID), lambda i: (0, 0)),
            pl.BlockSpec((1, D_HID), lambda i: (0, 0)),
            pl.BlockSpec((1, D_HID), lambda i: (0, 0)),
        ],
        out_specs=pl.BlockSpec((N_NODES, D_HID), lambda i: (0, 0)),
        out_shape=jax.ShapeDtypeStruct((N_NODES, D_HID), jnp.float32),
        scratch_shapes=[pltpu.VMEM((2, D_HID), jnp.float32)],
    )(p, W1, b1.reshape(1, -1), W2,
      b2.reshape(1, -1), gamma.reshape(1, -1), beta.reshape(1, -1))


def kernel(x, edge_index, W1, b1, W2, b2, gamma, beta):
    src = edge_index[0].astype(jnp.int32)
    dst = edge_index[1].astype(jnp.int32)
    parts = _sc_agg(x, src, dst)
    return _tc_mlp_bn(parts, W1, b1, W2, b2, gamma, beta)

# --- scband reference (transcript-rebuilt; emitter-appended) ---
"""Pipeline reference for scband-ginblock-5222680232494 (READ-ONLY COPY).

The authoritative reference and input builder live on the scoring server;
editing this copy changes nothing except your own understanding.
"""

import jax, jax.numpy as jnp
import numpy as np

N_NODES = 10000
N_EDGES = 320000
D_IN = 128
D_HID = 256


def setup_inputs(seed: int = 0) -> dict:
    key = jax.random.key(seed)
    ks = jax.random.split(key, 8)
    x = jax.random.normal(ks[0], (N_NODES, D_IN), dtype=jnp.float32)
    edge_index = jax.random.randint(ks[1], (2, N_EDGES), 0, N_NODES, dtype=jnp.int64)
    # Linear layers (PyTorch default init: uniform(-1/sqrt(fan_in), 1/sqrt(fan_in)))
    lim1 = 1.0 / np.sqrt(D_IN)
    W1 = jax.random.uniform(ks[2], (D_IN, D_HID), jnp.float32, -lim1, lim1)
    b1 = jax.random.uniform(ks[3], (D_HID,), jnp.float32, -lim1, lim1)
    lim2 = 1.0 / np.sqrt(D_HID)
    W2 = jax.random.uniform(ks[4], (D_HID, D_HID), jnp.float32, -lim2, lim2)
    b2 = jax.random.uniform(ks[5], (D_HID,), jnp.float32, -lim2, lim2)
    # BatchNorm affine params
    gamma = jnp.ones((D_HID,), dtype=jnp.float32)
    beta = jnp.zeros((D_HID,), dtype=jnp.float32)
    return {"x": x, "edge_index": edge_index, "W1": W1, "b1": b1, "W2": W2, "b2": b2, "gamma": gamma, "beta": beta}


def reference(x, edge_index, W1, b1, W2, b2, gamma, beta):
    src = edge_index[0]
    dst = edge_index[1]
    # GIN aggregation: sum of neighbor (source) features scattered to destination nodes
    msgs = jnp.take(x, src, axis=0)
    agg = jax.ops.segment_sum(msgs, dst, num_segments=x.shape[0])
    # eps = 0 (PyG GINConv default): (1 + eps) * x + agg
    h = x + agg
    # MLP: Linear -> ReLU -> Linear
    h = jnp.maximum(h @ W1 + b1, 0.0)
    h = h @ W2 + b2
    # outer ReLU
    h = jnp.maximum(h, 0.0)
    # BatchNorm1d in training mode: per-feature batch statistics (biased variance)
    mean = jnp.mean(h, axis=0)
    var = jnp.var(h, axis=0)
    h = (h - mean) / jnp.sqrt(var + 1e-5) * gamma + beta
    return h

if __name__ == "__main__":
    import jax
    _d = setup_inputs()
    print(jax.jit(kernel)(*tuple(_d.values())))

</pallas_src>

<mosaic_0001>
#map = affine_map<(d0, d1) -> (0, 0)>
#map1 = affine_map<(d0, d1) -> (0, 0, 0)>
module attributes {stable_mosaic.version = 14 : i64} {
  func.func @_sc_agg_body(%arg0: i32, %arg1: i32, %arg2: memref<10000x128xf32, #tpu.memory_space<hbm>>, %arg3: memref<16x250x80xi32, #tpu.memory_space<hbm>>, %arg4: memref<16x250x80xi32, #tpu.memory_space<hbm>>, %arg5: memref<10000x128xf32, #tpu.memory_space<hbm>>, %arg6: memref<10000x64xf32, #tpu.memory_space<vmem_shared>>, %arg7: memref<10000x64xf32, #tpu.memory_space<vmem_shared>>, %arg8: memref<250x80xi32, #tpu.memory_space<vmem>>, %arg9: memref<250x80xi32, #tpu.memory_space<vmem>>, %arg10: memref<80x64xf32, #tpu.memory_space<vmem>>, %arg11: memref<80x64xf32, #tpu.memory_space<vmem>>, %arg12: memref<!tpu.dma_semaphore, #tpu.memory_space<semaphore_mem>>, %arg13: memref<!tpu.dma_semaphore, #tpu.memory_space<semaphore_mem>>) attributes {dimension_semantics = [#tpu.dimension_semantics<core_parallel>, #tpu.dimension_semantics<subcore_parallel>], iteration_bounds = array<i64: 2, 16>, scalar_prefetch = 0 : i64, scratch_operands = 8 : i64, tpu.core_type = #tpu.core_type<sc_vector_subcore>, window_params = [{transform_indices = #map}, {transform_indices = #map1}, {transform_indices = #map1}, {transform_indices = #map}]} {
    %mul3A = arith.constant 64 : i32
    %mul3A_0 = arith.muli %arg0, %mul3A : i32
    %mul3A_1 = arith.constant 625 : i32
    %mul3A_2 = arith.muli %arg1, %mul3A_1 : i32
    "tpu.region"() ({
      %run_scoped3A_35 = tpu.sem_alloc : memref<!tpu.dma_semaphore, #tpu.memory_space<semaphore_mem>>
      %dma_start3A_36 = arith.constant 0 : i32
      %dma_start3A_37 = tpu.memref_slice %arg6[%mul3A_2, %dma_start3A_36] : memref<10000x64xf32, #tpu.memory_space<vmem_shared>> -> memref<625x64xf32, #tpu.memory_space<vmem_shared>>
      %dma_start3A_38 = tpu.memref_slice %arg2[%mul3A_2, %mul3A_0] : memref<10000x128xf32, #tpu.memory_space<hbm>> -> memref<625x64xf32, #tpu.memory_space<hbm>>
      tpu.enqueue_dma source(%dma_start3A_38 : memref<625x64xf32, #tpu.memory_space<hbm>>) target(%dma_start3A_37 : memref<625x64xf32, #tpu.memory_space<vmem_shared>>) target_semaphore(%run_scoped3A_35 : memref<!tpu.dma_semaphore, #tpu.memory_space<semaphore_mem>>)
      %dma_wait3A_39 = arith.constant 0 : i32
      %dma_wait3A_40 = tpu.memref_slice %arg6[%mul3A_2, %dma_wait3A_39] : memref<10000x64xf32, #tpu.memory_space<vmem_shared>> -> memref<625x64xf32, #tpu.memory_space<vmem_shared>>
      %dma_wait3A_41 = tpu.memref_slice %arg2[%mul3A_2, %mul3A_0] : memref<10000x128xf32, #tpu.memory_space<hbm>> -> memref<625x64xf32, #tpu.memory_space<hbm>>
      tpu.wait_dma2 semaphore(%run_scoped3A_35 : memref<!tpu.dma_semaphore, #tpu.memory_space<semaphore_mem>>) src(%dma_wait3A_41 : memref<625x64xf32, #tpu.memory_space<hbm>>) dst(%dma_wait3A_40 : memref<625x64xf32, #tpu.memory_space<vmem_shared>>)
      tpu.yield
    }) : () -> ()
    "tpu.region"() ({
      %run_scoped3A_35 = tpu.sem_alloc : memref<!tpu.dma_semaphore, #tpu.memory_space<semaphore_mem>>
      %dma_start3A_36 = arith.constant 0 : i32
      %dma_start3A_37 = tpu.memref_slice %arg7[%mul3A_2, %dma_start3A_36] : memref<10000x64xf32, #tpu.memory_space<vmem_shared>> -> memref<625x64xf32, #tpu.memory_space<vmem_shared>>
      %dma_start3A_38 = tpu.memref_slice %arg2[%mul3A_2, %mul3A_0] : memref<10000x128xf32, #tpu.memory_space<hbm>> -> memref<625x64xf32, #tpu.memory_space<hbm>>
      tpu.enqueue_dma source(%dma_start3A_38 : memref<625x64xf32, #tpu.memory_space<hbm>>) target(%dma_start3A_37 : memref<625x64xf32, #tpu.memory_space<vmem_shared>>) target_semaphore(%run_scoped3A_35 : memref<!tpu.dma_semaphore, #tpu.memory_space<semaphore_mem>>)
      %dma_wait3A_39 = arith.constant 0 : i32
      %dma_wait3A_40 = tpu.memref_slice %arg7[%mul3A_2, %dma_wait3A_39] : memref<10000x64xf32, #tpu.memory_space<vmem_shared>> -> memref<625x64xf32, #tpu.memory_space<vmem_shared>>
      %dma_wait3A_41 = tpu.memref_slice %arg2[%mul3A_2, %mul3A_0] : memref<10000x128xf32, #tpu.memory_space<hbm>> -> memref<625x64xf32, #tpu.memory_space<hbm>>
      tpu.wait_dma2 semaphore(%run_scoped3A_35 : memref<!tpu.dma_semaphore, #tpu.memory_space<semaphore_mem>>) src(%dma_wait3A_41 : memref<625x64xf32, #tpu.memory_space<hbm>>) dst(%dma_wait3A_40 : memref<625x64xf32, #tpu.memory_space<vmem_shared>>)
      tpu.yield
    }) : () -> ()
    %barrier3A = arith.constant 0 : index
    tpu.barrier barrier_id(%barrier3A)
    "tpu.region"() ({
      %run_scoped3A_35 = tpu.sem_alloc : memref<!tpu.dma_semaphore, #tpu.memory_space<semaphore_mem>>
      %dma_start3A_36 = arith.constant 0 : i32
      %dma_start3A_37 = arith.constant 0 : i32
      %dma_start3A_38 = tpu.memref_slice %arg3[%arg1, %dma_start3A_36, %dma_start3A_37] : memref<16x250x80xi32, #tpu.memory_space<hbm>> -> memref<1x250x80xi32, #tpu.memory_space<hbm>>
      %dma_start3A_39 = tpu.memref_squeeze %dma_start3A_38 : memref<1x250x80xi32, #tpu.memory_space<hbm>> -> memref<250x80xi32, #tpu.memory_space<hbm>>
      %dma_start3A_40 = arith.constant 0 : i32
      %dma_start3A_41 = arith.constant 0 : i32
      %dma_start3A_42 = tpu.memref_slice %arg3[%arg1, %dma_start3A_40, %dma_start3A_41] : memref<16x250x80xi32, #tpu.memory_space<hbm>> -> memref<1x250x80xi32, #tpu.memory_space<hbm>>
      %dma_start3A_43 = tpu.memref_squeeze %dma_start3A_42 : memref<1x250x80xi32, #tpu.memory_space<hbm>> -> memref<250x80xi32, #tpu.memory_space<hbm>>
      tpu.enqueue_dma source(%dma_start3A_43 : memref<250x80xi32, #tpu.memory_space<hbm>>) target(%arg8 : memref<250x80xi32, #tpu.memory_space<vmem>>) target_semaphore(%run_scoped3A_35 : memref<!tpu.dma_semaphore, #tpu.memory_space<semaphore_mem>>)
      %dma_wait3A_44 = arith.constant 0 : i32
      %dma_wait3A_45 = arith.constant 0 : i32
      %dma_wait3A_46 = tpu.memref_slice %arg3[%arg1, %dma_wait3A_44, %dma_wait3A_45] : memref<16x250x80xi32, #tpu.memory_space<hbm>> -> memref<1x250x80xi32, #tpu.memory_space<hbm>>
      %dma_wait3A_47 = tpu.memref_squeeze %dma_wait3A_46 : memref<1x250x80xi32, #tpu.memory_space<hbm>> -> memref<250x80xi32, #tpu.memory_space<hbm>>
      %dma_wait3A_48 = arith.constant 0 : i32
      %dma_wait3A_49 = arith.constant 0 : i32
      %dma_wait3A_50 = tpu.memref_slice %arg3[%arg1, %dma_wait3A_48, %dma_wait3A_49] : memref<16x250x80xi32, #tpu.memory_space<hbm>> -> memref<1x250x80xi32, #tpu.memory_space<hbm>>
      %dma_wait3A_51 = tpu.memref_squeeze %dma_wait3A_50 : memref<1x250x80xi32, #tpu.memory_space<hbm>> -> memref<250x80xi32, #tpu.memory_space<hbm>>
      tpu.wait_dma2 semaphore(%run_scoped3A_35 : memref<!tpu.dma_semaphore, #tpu.memory_space<semaphore_mem>>) src(%dma_wait3A_51 : memref<250x80xi32, #tpu.memory_space<hbm>>) dst(%arg8 : memref<250x80xi32, #tpu.memory_space<vmem>>)
      tpu.yield
    }) : () -> ()
    "tpu.region"() ({
      %run_scoped3A_35 = tpu.sem_alloc : memref<!tpu.dma_semaphore, #tpu.memory_space<semaphore_mem>>
      %dma_start3A_36 = arith.constant 0 : i32
      %dma_start3A_37 = arith.constant 0 : i32
      %dma_start3A_38 = tpu.memref_slice %arg4[%arg1, %dma_start3A_36, %dma_start3A_37] : memref<16x250x80xi32, #tpu.memory_space<hbm>> -> memref<1x250x80xi32, #tpu.memory_space<hbm>>
      %dma_start3A_39 = tpu.memref_squeeze %dma_start3A_38 : memref<1x250x80xi32, #tpu.memory_space<hbm>> -> memref<250x80xi32, #tpu.memory_space<hbm>>
      %dma_start3A_40 = arith.constant 0 : i32
      %dma_start3A_41 = arith.constant 0 : i32
      %dma_start3A_42 = tpu.memref_slice %arg4[%arg1, %dma_start3A_40, %dma_start3A_41] : memref<16x250x80xi32, #tpu.memory_space<hbm>> -> memref<1x250x80xi32, #tpu.memory_space<hbm>>
      %dma_start3A_43 = tpu.memref_squeeze %dma_start3A_42 : memref<1x250x80xi32, #tpu.memory_space<hbm>> -> memref<250x80xi32, #tpu.memory_space<hbm>>
      tpu.enqueue_dma source(%dma_start3A_43 : memref<250x80xi32, #tpu.memory_space<hbm>>) target(%arg9 : memref<250x80xi32, #tpu.memory_space<vmem>>) target_semaphore(%run_scoped3A_35 : memref<!tpu.dma_semaphore, #tpu.memory_space<semaphore_mem>>)
      %dma_wait3A_44 = arith.constant 0 : i32
      %dma_wait3A_45 = arith.constant 0 : i32
      %dma_wait3A_46 = tpu.memref_slice %arg4[%arg1, %dma_wait3A_44, %dma_wait3A_45] : memref<16x250x80xi32, #tpu.memory_space<hbm>> -> memref<1x250x80xi32, #tpu.memory_space<hbm>>
      %dma_wait3A_47 = tpu.memref_squeeze %dma_wait3A_46 : memref<1x250x80xi32, #tpu.memory_space<hbm>> -> memref<250x80xi32, #tpu.memory_space<hbm>>
      %dma_wait3A_48 = arith.constant 0 : i32
      %dma_wait3A_49 = arith.constant 0 : i32
      %dma_wait3A_50 = tpu.memref_slice %arg4[%arg1, %dma_wait3A_48, %dma_wait3A_49] : memref<16x250x80xi32, #tpu.memory_space<hbm>> -> memref<1x250x80xi32, #tpu.memory_space<hbm>>
      %dma_wait3A_51 = tpu.memref_squeeze %dma_wait3A_50 : memref<1x250x80xi32, #tpu.memory_space<hbm>> -> memref<250x80xi32, #tpu.memory_space<hbm>>
      tpu.wait_dma2 semaphore(%run_scoped3A_35 : memref<!tpu.dma_semaphore, #tpu.memory_space<semaphore_mem>>) src(%dma_wait3A_51 : memref<250x80xi32, #tpu.memory_space<hbm>>) dst(%arg9 : memref<250x80xi32, #tpu.memory_space<vmem>>)
      tpu.yield
    }) : () -> ()
    %dma_start3A = arith.constant 0 : i32
    %dma_start3A_3 = arith.constant 0 : i32
    %dma_start3A_4 = tpu.memref_slice %arg8[%dma_start3A, %dma_start3A_3] : memref<250x80xi32, #tpu.memory_space<vmem>> -> memref<1x80xi32, #tpu.memory_space<vmem>>
    %dma_start3A_5 = tpu.memref_squeeze %dma_start3A_4 : memref<1x80xi32, #tpu.memory_space<vmem>> -> memref<80xi32, #tpu.memory_space<vmem>>
    %dma_start3A_6 = arith.constant 0 : i32
    %dma_start3A_7 = arith.constant 0 : i32
    %dma_start3A_8 = tpu.memref_slice %arg6[%dma_start3A_6, %dma_start3A_7] : memref<10000x64xf32, #tpu.memory_space<vmem_shared>> -> memref<10000x64xf32, #tpu.memory_space<vmem_shared>>
    tpu.enqueue_indirect_dma source(%dma_start3A_8 : memref<10000x64xf32, #tpu.memory_space<vmem_shared>>) target(%arg10 : memref<80x64xf32, #tpu.memory_space<vmem>>) offsets(%dma_start3A_5 : memref<80xi32, #tpu.memory_space<vmem>>) semaphore(%arg12 : memref<!tpu.dma_semaphore, #tpu.memory_space<semaphore_mem>>)
    %scan3A = arith.constant 0 : i32
    %scan3A_9 = arith.constant 124 : i32
    %scan3A_10 = arith.addi %scan3A, %scan3A_9 : i32
    %scan3A_11 = arith.constant 1 : i32
    scf.for %scan3A_35 = %scan3A to %scan3A_10 step %scan3A_11  : i32 {
      %mul3A_36 = arith.constant 2 : i32
      %mul3A_37 = arith.muli %scan3A_35, %mul3A_36 : i32
      %add3A = arith.constant 0 : i32
      %add3A_38 = arith.addi %add3A, %mul3A_37 : i32
      %add3A_39 = arith.constant 0 : i32
      %add3A_40 = arith.addi %add3A_38, %add3A_39 : i32
      %dma_wait3A_41 = arith.constant 0 : i32
      %dma_wait3A_42 = arith.constant 0 : i32
      %dma_wait3A_43 = tpu.memref_slice %arg8[%dma_wait3A_41, %dma_wait3A_42] : memref<250x80xi32, #tpu.memory_space<vmem>> -> memref<1x80xi32, #tpu.memory_space<vmem>>
      %dma_wait3A_44 = tpu.memref_squeeze %dma_wait3A_43 : memref<1x80xi32, #tpu.memory_space<vmem>> -> memref<80xi32, #tpu.memory_space<vmem>>
      %dma_wait3A_45 = arith.constant 0 : i32
      %dma_wait3A_46 = arith.constant 0 : i32
      %dma_wait3A_47 = tpu.memref_slice %arg6[%dma_wait3A_45, %dma_wait3A_46] : memref<10000x64xf32, #tpu.memory_space<vmem_shared>> -> memref<10000x64xf32, #tpu.memory_space<vmem_shared>>
      tpu.wait_indirect_dma semaphore(%arg12 : memref<!tpu.dma_semaphore, #tpu.memory_space<semaphore_mem>>) src(%dma_wait3A_47 : memref<10000x64xf32, #tpu.memory_space<vmem_shared>>) dst(%arg10 : memref<80x64xf32, #tpu.memory_space<vmem>>)
      %add3A_48 = arith.constant 1 : i32
      %add3A_49 = arith.addi %add3A_40, %add3A_48 : i32
      %dma_start3A_50 = arith.constant 0 : i32
      %dma_start3A_51 = tpu.memref_slice %arg8[%add3A_49, %dma_start3A_50] : memref<250x80xi32, #tpu.memory_space<vmem>> -> memref<1x80xi32, #tpu.memory_space<vmem>>
      %dma_start3A_52 = tpu.memref_squeeze %dma_start3A_51 : memref<1x80xi32, #tpu.memory_space<vmem>> -> memref<80xi32, #tpu.memory_space<vmem>>
      %dma_start3A_53 = arith.constant 0 : i32
      %dma_start3A_54 = arith.constant 0 : i32
      %dma_start3A_55 = tpu.memref_slice %arg6[%dma_start3A_53, %dma_start3A_54] : memref<10000x64xf32, #tpu.memory_space<vmem_shared>> -> memref<10000x64xf32, #tpu.memory_space<vmem_shared>>
      tpu.enqueue_indirect_dma source(%dma_start3A_55 : memref<10000x64xf32, #tpu.memory_space<vmem_shared>>) target(%arg11 : memref<80x64xf32, #tpu.memory_space<vmem>>) offsets(%dma_start3A_52 : memref<80xi32, #tpu.memory_space<vmem>>) semaphore(%arg13 : memref<!tpu.dma_semaphore, #tpu.memory_space<semaphore_mem>>)
      "tpu.region"() ({
        %run_scoped3A_73 = tpu.sem_alloc : memref<!tpu.dma_semaphore, #tpu.memory_space<semaphore_mem>>
        %dma_start3A_74 = arith.constant 0 : i32
        %dma_start3A_75 = tpu.memref_slice %arg9[%add3A_40, %dma_start3A_74] : memref<250x80xi32, #tpu.memory_space<vmem>> -> memref<1x80xi32, #tpu.memory_space<vmem>>
        %dma_start3A_76 = tpu.memref_squeeze %dma_start3A_75 : memref<1x80xi32, #tpu.memory_space<vmem>> -> memref<80xi32, #tpu.memory_space<vmem>>
        %dma_start3A_77 = arith.constant 0 : i32
        %dma_start3A_78 = arith.constant 0 : i32
        %dma_start3A_79 = tpu.memref_slice %arg7[%dma_start3A_77, %dma_start3A_78] : memref<10000x64xf32, #tpu.memory_space<vmem_shared>> -> memref<10000x64xf32, #tpu.memory_space<vmem_shared>>
        tpu.enqueue_indirect_dma source(%arg10 : memref<80x64xf32, #tpu.memory_space<vmem>>) target(%dma_start3A_79 : memref<10000x64xf32, #tpu.memory_space<vmem_shared>>) offsets(%dma_start3A_76 : memref<80xi32, #tpu.memory_space<vmem>>) semaphore(%run_scoped3A_73 : memref<!tpu.dma_semaphore, #tpu.memory_space<semaphore_mem>>) {add = true}
        %dma_wait3A_80 = arith.constant 0 : i32
        %dma_wait3A_81 = tpu.memref_slice %arg9[%add3A_40, %dma_wait3A_80] : memref<250x80xi32, #tpu.memory_space<vmem>> -> memref<1x80xi32, #tpu.memory_space<vmem>>
        %dma_wait3A_82 = tpu.memref_squeeze %dma_wait3A_81 : memref<1x80xi32, #tpu.memory_space<vmem>> -> memref<80xi32, #tpu.memory_space<vmem>>
        %dma_wait3A_83 = arith.constant 0 : i32
        %dma_wait3A_84 = arith.constant 0 : i32
        %dma_wait3A_85 = tpu.memref_slice %arg7[%dma_wait3A_83, %dma_wait3A_84] : memref<10000x64xf32, #tpu.memory_space<vmem_shared>> -> memref<10000x64xf32, #tpu.memory_space<vmem_shared>>
        tpu.wait_indirect_dma semaphore(%run_scoped3A_73 : memref<!tpu.dma_semaphore, #tpu.memory_space<semaphore_mem>>) src(%arg10 : memref<80x64xf32, #tpu.memory_space<vmem>>) dst(%dma_wait3A_85 : memref<10000x64xf32, #tpu.memory_space<vmem_shared>>)
        tpu.yield
      }) : () -> ()
      %add3A_56 = arith.constant 1 : i32
      %add3A_57 = arith.addi %add3A_38, %add3A_56 : i32
      %dma_wait3A_58 = arith.constant 0 : i32
      %dma_wait3A_59 = arith.constant 0 : i32
      %dma_wait3A_60 = tpu.memref_slice %arg8[%dma_wait3A_58, %dma_wait3A_59] : memref<250x80xi32, #tpu.memory_space<vmem>> -> memref<1x80xi32, #tpu.memory_space<vmem>>
      %dma_wait3A_61 = tpu.memref_squeeze %dma_wait3A_60 : memref<1x80xi32, #tpu.memory_space<vmem>> -> memref<80xi32, #tpu.memory_space<vmem>>
      %dma_wait3A_62 = arith.constant 0 : i32
      %dma_wait3A_63 = arith.constant 0 : i32
      %dma_wait3A_64 = tpu.memref_slice %arg6[%dma_wait3A_62, %dma_wait3A_63] : memref<10000x64xf32, #tpu.memory_space<vmem_shared>> -> memref<10000x64xf32, #tpu.memory_space<vmem_shared>>
      tpu.wait_indirect_dma semaphore(%arg13 : memref<!tpu.dma_semaphore, #tpu.memory_space<semaphore_mem>>) src(%dma_wait3A_64 : memref<10000x64xf32, #tpu.memory_space<vmem_shared>>) dst(%arg11 : memref<80x64xf32, #tpu.memory_space<vmem>>)
      %add3A_65 = arith.constant 1 : i32
      %add3A_66 = arith.addi %add3A_57, %add3A_65 : i32
      %dma_start3A_67 = arith.constant 0 : i32
      %dma_start3A_68 = tpu.memref_slice %arg8[%add3A_66, %dma_start3A_67] : memref<250x80xi32, #tpu.memory_space<vmem>> -> memref<1x80xi32, #tpu.memory_space<vmem>>
      %dma_start3A_69 = tpu.memref_squeeze %dma_start3A_68 : memref<1x80xi32, #tpu.memory_space<vmem>> -> memref<80xi32, #tpu.memory_space<vmem>>
      %dma_start3A_70 = arith.constant 0 : i32
      %dma_start3A_71 = arith.constant 0 : i32
      %dma_start3A_72 = tpu.memref_slice %arg6[%dma_start3A_70, %dma_start3A_71] : memref<10000x64xf32, #tpu.memory_space<vmem_shared>> -> memref<10000x64xf32, #tpu.memory_space<vmem_shared>>
      tpu.enqueue_indirect_dma source(%dma_start3A_72 : memref<10000x64xf32, #tpu.memory_space<vmem_shared>>) target(%arg10 : memref<80x64xf32, #tpu.memory_space<vmem>>) offsets(%dma_start3A_69 : memref<80xi32, #tpu.memory_space<vmem>>) semaphore(%arg12 : memref<!tpu.dma_semaphore, #tpu.memory_space<semaphore_mem>>)
      "tpu.region"() ({
        %run_scoped3A_73 = tpu.sem_alloc : memref<!tpu.dma_semaphore, #tpu.memory_space<semaphore_mem>>
        %dma_start3A_74 = arith.constant 0 : i32
        %dma_start3A_75 = tpu.memref_slice %arg9[%add3A_57, %dma_start3A_74] : memref<250x80xi32, #tpu.memory_space<vmem>> -> memref<1x80xi32, #tpu.memory_space<vmem>>
        %dma_start3A_76 = tpu.memref_squeeze %dma_start3A_75 : memref<1x80xi32, #tpu.memory_space<vmem>> -> memref<80xi32, #tpu.memory_space<vmem>>
        %dma_start3A_77 = arith.constant 0 : i32
        %dma_start3A_78 = arith.constant 0 : i32
        %dma_start3A_79 = tpu.memref_slice %arg7[%dma_start3A_77, %dma_start3A_78] : memref<10000x64xf32, #tpu.memory_space<vmem_shared>> -> memref<10000x64xf32, #tpu.memory_space<vmem_shared>>
        tpu.enqueue_indirect_dma source(%arg11 : memref<80x64xf32, #tpu.memory_space<vmem>>) target(%dma_start3A_79 : memref<10000x64xf32, #tpu.memory_space<vmem_shared>>) offsets(%dma_start3A_76 : memref<80xi32, #tpu.memory_space<vmem>>) semaphore(%run_scoped3A_73 : memref<!tpu.dma_semaphore, #tpu.memory_space<semaphore_mem>>) {add = true}
        %dma_wait3A_80 = arith.constant 0 : i32
        %dma_wait3A_81 = tpu.memref_slice %arg9[%add3A_57, %dma_wait3A_80] : memref<250x80xi32, #tpu.memory_space<vmem>> -> memref<1x80xi32, #tpu.memory_space<vmem>>
        %dma_wait3A_82 = tpu.memref_squeeze %dma_wait3A_81 : memref<1x80xi32, #tpu.memory_space<vmem>> -> memref<80xi32, #tpu.memory_space<vmem>>
        %dma_wait3A_83 = arith.constant 0 : i32
        %dma_wait3A_84 = arith.constant 0 : i32
        %dma_wait3A_85 = tpu.memref_slice %arg7[%dma_wait3A_83, %dma_wait3A_84] : memref<10000x64xf32, #tpu.memory_space<vmem_shared>> -> memref<10000x64xf32, #tpu.memory_space<vmem_shared>>
        tpu.wait_indirect_dma semaphore(%run_scoped3A_73 : memref<!tpu.dma_semaphore, #tpu.memory_space<semaphore_mem>>) src(%arg11 : memref<80x64xf32, #tpu.memory_space<vmem>>) dst(%dma_wait3A_85 : memref<10000x64xf32, #tpu.memory_space<vmem_shared>>)
        tpu.yield
      }) : () -> ()
    }
    %scan3A_12 = arith.constant 124 : i32
    %dma_wait3A = arith.constant 0 : i32
    %dma_wait3A_13 = arith.constant 0 : i32
    %dma_wait3A_14 = tpu.memref_slice %arg8[%dma_wait3A, %dma_wait3A_13] : memref<250x80xi32, #tpu.memory_space<vmem>> -> memref<1x80xi32, #tpu.memory_space<vmem>>
    %dma_wait3A_15 = tpu.memref_squeeze %dma_wait3A_14 : memref<1x80xi32, #tpu.memory_space<vmem>> -> memref<80xi32, #tpu.memory_space<vmem>>
    %dma_wait3A_16 = arith.constant 0 : i32
    %dma_wait3A_17 = arith.constant 0 : i32
    %dma_wait3A_18 = tpu.memref_slice %arg6[%dma_wait3A_16, %dma_wait3A_17] : memref<10000x64xf32, #tpu.memory_space<vmem_shared>> -> memref<10000x64xf32, #tpu.memory_space<vmem_shared>>
    tpu.wait_indirect_dma semaphore(%arg12 : memref<!tpu.dma_semaphore, #tpu.memory_space<semaphore_mem>>) src(%dma_wait3A_18 : memref<10000x64xf32, #tpu.memory_space<vmem_shared>>) dst(%arg10 : memref<80x64xf32, #tpu.memory_space<vmem>>)
    %dma_start3A_19 = arith.constant 249 : i32
    %dma_start3A_20 = arith.constant 0 : i32
    %dma_start3A_21 = tpu.memref_slice %arg8[%dma_start3A_19, %dma_start3A_20] : memref<250x80xi32, #tpu.memory_space<vmem>> -> memref<1x80xi32, #tpu.memory_space<vmem>>
    %dma_start3A_22 = tpu.memref_squeeze %dma_start3A_21 : memref<1x80xi32, #tpu.memory_space<vmem>> -> memref<80xi32, #tpu.memory_space<vmem>>
    %dma_start3A_23 = arith.constant 0 : i32
    %dma_start3A_24 = arith.constant 0 : i32
    %dma_start3A_25 = tpu.memref_slice %arg6[%dma_start3A_23, %dma_start3A_24] : memref<10000x64xf32, #tpu.memory_space<vmem_shared>> -> memref<10000x64xf32, #tpu.memory_space<vmem_shared>>
    tpu.enqueue_indirect_dma source(%dma_start3A_25 : memref<10000x64xf32, #tpu.memory_space<vmem_shared>>) target(%arg11 : memref<80x64xf32, #tpu.memory_space<vmem>>) offsets(%dma_start3A_22 : memref<80xi32, #tpu.memory_space<vmem>>) semaphore(%arg13 : memref<!tpu.dma_semaphore, #tpu.memory_space<semaphore_mem>>)
    %run_scoped3A = arith.constant 248 : i32
    "tpu.region"() ({
      %run_scoped3A_35 = tpu.sem_alloc : memref<!tpu.dma_semaphore, #tpu.memory_space<semaphore_mem>>
      %dma_start3A_36 = arith.constant 0 : i32
      %dma_start3A_37 = tpu.memref_slice %arg9[%run_scoped3A, %dma_start3A_36] : memref<250x80xi32, #tpu.memory_space<vmem>> -> memref<1x80xi32, #tpu.memory_space<vmem>>
      %dma_start3A_38 = tpu.memref_squeeze %dma_start3A_37 : memref<1x80xi32, #tpu.memory_space<vmem>> -> memref<80xi32, #tpu.memory_space<vmem>>
      %dma_start3A_39 = arith.constant 0 : i32
      %dma_start3A_40 = arith.constant 0 : i32
      %dma_start3A_41 = tpu.memref_slice %arg7[%dma_start3A_39, %dma_start3A_40] : memref<10000x64xf32, #tpu.memory_space<vmem_shared>> -> memref<10000x64xf32, #tpu.memory_space<vmem_shared>>
      tpu.enqueue_indirect_dma source(%arg10 : memref<80x64xf32, #tpu.memory_space<vmem>>) target(%dma_start3A_41 : memref<10000x64xf32, #tpu.memory_space<vmem_shared>>) offsets(%dma_start3A_38 : memref<80xi32, #tpu.memory_space<vmem>>) semaphore(%run_scoped3A_35 : memref<!tpu.dma_semaphore, #tpu.memory_space<semaphore_mem>>) {add = true}
      %dma_wait3A_42 = arith.constant 0 : i32
      %dma_wait3A_43 = tpu.memref_slice %arg9[%run_scoped3A, %dma_wait3A_42] : memref<250x80xi32, #tpu.memory_space<vmem>> -> memref<1x80xi32, #tpu.memory_space<vmem>>
      %dma_wait3A_44 = tpu.memref_squeeze %dma_wait3A_43 : memref<1x80xi32, #tpu.memory_space<vmem>> -> memref<80xi32, #tpu.memory_space<vmem>>
      %dma_wait3A_45 = arith.constant 0 : i32
      %dma_wait3A_46 = arith.constant 0 : i32
      %dma_wait3A_47 = tpu.memref_slice %arg7[%dma_wait3A_45, %dma_wait3A_46] : memref<10000x64xf32, #tpu.memory_space<vmem_shared>> -> memref<10000x64xf32, #tpu.memory_space<vmem_shared>>
      tpu.wait_indirect_dma semaphore(%run_scoped3A_35 : memref<!tpu.dma_semaphore, #tpu.memory_space<semaphore_mem>>) src(%arg10 : memref<80x64xf32, #tpu.memory_space<vmem>>) dst(%dma_wait3A_47 : memref<10000x64xf32, #tpu.memory_space<vmem_shared>>)
      tpu.yield
    }) : () -> ()
    %dma_wait3A_26 = arith.constant 0 : i32
    %dma_wait3A_27 = arith.constant 0 : i32
    %dma_wait3A_28 = tpu.memref_slice %arg8[%dma_wait3A_26, %dma_wait3A_27] : memref<250x80xi32, #tpu.memory_space<vmem>> -> memref<1x80xi32, #tpu.memory_space<vmem>>
    %dma_wait3A_29 = tpu.memref_squeeze %dma_wait3A_28 : memref<1x80xi32, #tpu.memory_space<vmem>> -> memref<80xi32, #tpu.memory_space<vmem>>
    %dma_wait3A_30 = arith.constant 0 : i32
    %dma_wait3A_31 = arith.constant 0 : i32
    %dma_wait3A_32 = tpu.memref_slice %arg6[%dma_wait3A_30, %dma_wait3A_31] : memref<10000x64xf32, #tpu.memory_space<vmem_shared>> -> memref<10000x64xf32, #tpu.memory_space<vmem_shared>>
    tpu.wait_indirect_dma semaphore(%arg13 : memref<!tpu.dma_semaphore, #tpu.memory_space<semaphore_mem>>) src(%dma_wait3A_32 : memref<10000x64xf32, #tpu.memory_space<vmem_shared>>) dst(%arg11 : memref<80x64xf32, #tpu.memory_space<vmem>>)
    %run_scoped3A_33 = arith.constant 249 : i32
    "tpu.region"() ({
      %run_scoped3A_35 = tpu.sem_alloc : memref<!tpu.dma_semaphore, #tpu.memory_space<semaphore_mem>>
      %dma_start3A_36 = arith.constant 0 : i32
      %dma_start3A_37 = tpu.memref_slice %arg9[%run_scoped3A_33, %dma_start3A_36] : memref<250x80xi32, #tpu.memory_space<vmem>> -> memref<1x80xi32, #tpu.memory_space<vmem>>
      %dma_start3A_38 = tpu.memref_squeeze %dma_start3A_37 : memref<1x80xi32, #tpu.memory_space<vmem>> -> memref<80xi32, #tpu.memory_space<vmem>>
      %dma_start3A_39 = arith.constant 0 : i32
      %dma_start3A_40 = arith.constant 0 : i32
      %dma_start3A_41 = tpu.memref_slice %arg7[%dma_start3A_39, %dma_start3A_40] : memref<10000x64xf32, #tpu.memory_space<vmem_shared>> -> memref<10000x64xf32, #tpu.memory_space<vmem_shared>>
      tpu.enqueue_indirect_dma source(%arg11 : memref<80x64xf32, #tpu.memory_space<vmem>>) target(%dma_start3A_41 : memref<10000x64xf32, #tpu.memory_space<vmem_shared>>) offsets(%dma_start3A_38 : memref<80xi32, #tpu.memory_space<vmem>>) semaphore(%run_scoped3A_35 : memref<!tpu.dma_semaphore, #tpu.memory_space<semaphore_mem>>) {add = true}
      %dma_wait3A_42 = arith.constant 0 : i32
      %dma_wait3A_43 = tpu.memref_slice %arg9[%run_scoped3A_33, %dma_wait3A_42] : memref<250x80xi32, #tpu.memory_space<vmem>> -> memref<1x80xi32, #tpu.memory_space<vmem>>
      %dma_wait3A_44 = tpu.memref_squeeze %dma_wait3A_43 : memref<1x80xi32, #tpu.memory_space<vmem>> -> memref<80xi32, #tpu.memory_space<vmem>>
      %dma_wait3A_45 = arith.constant 0 : i32
      %dma_wait3A_46 = arith.constant 0 : i32
      %dma_wait3A_47 = tpu.memref_slice %arg7[%dma_wait3A_45, %dma_wait3A_46] : memref<10000x64xf32, #tpu.memory_space<vmem_shared>> -> memref<10000x64xf32, #tpu.memory_space<vmem_shared>>
      tpu.wait_indirect_dma semaphore(%run_scoped3A_35 : memref<!tpu.dma_semaphore, #tpu.memory_space<semaphore_mem>>) src(%arg11 : memref<80x64xf32, #tpu.memory_space<vmem>>) dst(%dma_wait3A_47 : memref<10000x64xf32, #tpu.memory_space<vmem_shared>>)
      tpu.yield
    }) : () -> ()
    %barrier3A_34 = arith.constant 0 : index
    tpu.barrier barrier_id(%barrier3A_34)
    "tpu.region"() ({
      %run_scoped3A_35 = tpu.sem_alloc : memref<!tpu.dma_semaphore, #tpu.memory_space<semaphore_mem>>
      %dma_start3A_36 = tpu.memref_slice %arg5[%mul3A_2, %mul3A_0] : memref<10000x128xf32, #tpu.memory_space<hbm>> -> memref<625x64xf32, #tpu.memory_space<hbm>>
      %dma_start3A_37 = arith.constant 0 : i32
      %dma_start3A_38 = tpu.memref_slice %arg7[%mul3A_2, %dma_start3A_37] : memref<10000x64xf32, #tpu.memory_space<vmem_shared>> -> memref<625x64xf32, #tpu.memory_space<vmem_shared>>
      tpu.enqueue_dma source(%dma_start3A_38 : memref<625x64xf32, #tpu.memory_space<vmem_shared>>) target(%dma_start3A_36 : memref<625x64xf32, #tpu.memory_space<hbm>>) target_semaphore(%run_scoped3A_35 : memref<!tpu.dma_semaphore, #tpu.memory_space<semaphore_mem>>)
      %dma_wait3A_39 = tpu.memref_slice %arg5[%mul3A_2, %mul3A_0] : memref<10000x128xf32, #tpu.memory_space<hbm>> -> memref<625x64xf32, #tpu.memory_space<hbm>>
      %dma_wait3A_40 = arith.constant 0 : i32
      %dma_wait3A_41 = tpu.memref_slice %arg7[%mul3A_2, %dma_wait3A_40] : memref<10000x64xf32, #tpu.memory_space<vmem_shared>> -> memref<625x64xf32, #tpu.memory_space<vmem_shared>>
      tpu.wait_dma2 semaphore(%run_scoped3A_35 : memref<!tpu.dma_semaphore, #tpu.memory_space<semaphore_mem>>) src(%dma_wait3A_41 : memref<625x64xf32, #tpu.memory_space<vmem_shared>>) dst(%dma_wait3A_39 : memref<625x64xf32, #tpu.memory_space<hbm>>)
      tpu.yield
    }) : () -> ()
    return
  }
}

</mosaic_0001>

<sc_bundles>
// kernel: _sc_agg.3.cloned.1.call-start
scs
__scs_entry_jumppad:
0x0: {  	(pc) =	sbr.rel $0x88, $3  }
0x1: {  	(tag) =	ssettag $0x0;
	lr =	simm.s32 $0x1  }
0x2: {  	[smem:$0x3F9E] =	sst lr;
	_ =	strace $0xD0000000  }
0x3: {  	_ = 	snop  }
0x4: {  	_ = 	snop  }
0x5: {  	_ = 	snop  }
0x6: {  	_ = 	snop  }
0x7: {  	_ = 	snop  }
__scs_overlays_trampoline_lowered:
0x8: {  	[smem:$0x3FAD] =	sst s0  }
0x9: {  	[smem:$0x3FAE] =	sst s1  }
0xa: {  	[smem:$0x3FAF] =	sst s2  }
0xb: {  	[smem:$0x3FB0] =	sst s3  }
0xc: {  	[smem:$0x3FB1] =	sst s4  }
0xd: {  	[smem:$0x3FB2] =	sst s5  }
0xe: {  	[smem:$0x3FB3] =	sst s6  }
0xf: {  	[smem:$0x3FB4] =	sst s7  }
0x10: {  	[smem:$0x3FB5] =	sst s8  }
0x11: {  	[smem:$0x3FB6] =	sst s9;
	s0 =	simm.s32 @!p0 $0x0  }
0x12: {  	s1 =	sld [smem:$0x3F9C];
	s0 =	simm.s32 @p0 $0x1  }
0x13: {  	[smem:$0x3FB7] =	sst s0;
	s0 =	simm.s32 @!p1 $0x0  }
0x14: {  	s2 =	sld [smem:$0x3F9B];
	s0 =	simm.s32 @p1 $0x1  }
0x15: {  	[smem:$0x3FB8] =	sst s0;
	s0 =	simm.s32 @!p2 $0x0  }
0x16: {  	s3 =	sld [smem:$0x3FDB];
	s0 =	simm.s32 @p2 $0x1  }
0x17: {  	s4 =	simm.s32 $0x1BF5;
	[smem:$0x3FBA] =	sst s0  }
0x18: {  	s0 =	sld [smem:$0x3F9D];
	_ =	swait.ge [sflag:s4], $0x0  }
0x19: {  	s7 =	sld [smem:$0x3F9E]  }
0x1a: {  	s8 =	sadd.s32 $0xFFFFE003, lr  }
0x1b: {  	s9 =	sadd.s32 $0xFFFFFEF7, lr;
	s5 =	simm.s32 $0xFFFFFFFF;
	p2 =	slt.u32 s8, $0xFFFFF086  }
0x1c: {  	p1 =	slt.u32 s9, $0xF7A;
	s5 =	simm.s32 @!p2 $0x0  }
0x1d: {  	s5 =	simm.s32 @p1 $0x1;
	p0 =	seq.s32 s7, s2  }
0x1e: {  	s7 =	smul.u32 @!p0 $0xF7A, s2;
	p2 =	seq.s32 @!p0 s5, $0x0  }
0x1f: {  	s9 =	smul.u32 $0xF7A, s1;
	s8 =	simm.s32 @!p0 $0x1BF5;
	p2 =	por !p2, p0  }
0x20: {  	[sflag:s8] =	ssyncset.s32 @!p0 $0xFFFFF086;
	s6 =	sadd.s32 @!p0 s3, s7;
	s7 =	simm.s32 @!p0 $0x108  }
0x21: {  	s3 =	sadd.s32 s3, s9;
	s6 =	sadd.s32 @!p0 $0x88, s6;
	s7 =	simm.s32 @p2 $0x1082  }
0x22: {  	[simem:s7], [sflag:s8] =	dma.local @!p0 [hbm:s6], $0xF7A  }
0x23: {  	s9 =	sor.u32 $0xD0000000, s2;
	s6 =	simm.s32 $0x108;
	_ =	swait.ge @!p0 [sflag:s8], $0x0  }
0x24: {  	s3 =	sadd.s32 $0x88, s3;
	s6 =	simm.s32 @!p1 $0x1082;
	[sflag:s4] =	ssyncset.s32 $0xFFFFF086  }
0x25: {  	[simem:s6], [sflag:s4] =	dma.local [hbm:s3], $0xF7A  }
0x26: {  	[smem:$0x3F9E] =	sst s1;
	(tag) =	ssettag s2;
	_ =	strace s9  }
0x27: {  	s1 =	sld [smem:$0x3FAE]  }
0x28: {  	s2 =	sld [smem:$0x3FAF]  }
0x29: {  	s4 =	sld [smem:$0x3FB1]  }
0x2a: {  	p0 =	seq.s32 s5, $0x0;
	s5 =	sld [smem:$0x3FB2]  }
0x2b: {  	s6 =	sld [smem:$0x3FB3]  }
0x2c: {  	s7 =	sld [smem:$0x3FB4]  }
0x2d: {  	s3 =	simm.s32 $0x108;
	s8 =	sld [smem:$0x3FB5]  }
0x2e: {  	s3 =	simm.s32 @!p0 $0x1082;
	s9 =	sld [smem:$0x3FB6]  }
0x2f: {  	lr =	sadd.s32 s0, s3;
	s0 =	sld [smem:$0x3FAD]  }
0x30: {  	s3 =	sld [smem:$0x3FB0]  }
0x31: {  	[smem:$0x3FB9] =	sst s10  }
0x32: {  	s10 =	sld [smem:$0x3FB7];
	_ =	sdelay $0x3  }
0x33: {  	p0 =	seq.s32 s10, $0x1;
	s10 =	sld [smem:$0x3FB9];
	_ =	sdelay $0x3  }
0x34: {  	[smem:$0x3FB9] =	sst s10  }
0x35: {  	s10 =	sld [smem:$0x3FB8];
	_ =	sdelay $0x3  }
0x36: {  	p1 =	seq.s32 s10, $0x1;
	s10 =	sld [smem:$0x3FB9];
	_ =	sdelay $0x3  }
0x37: {  	[smem:$0x3FB9] =	sst s10  }
0x38: {  	s10 =	sld [smem:$0x3FBA]  }
0x39: {  	_ = 	snop;
	(pc) =	sbr.ind lr, $3  }
0x3a: {  	_ = 	snop  }
0x3b: {  	_ = 	snop  }
0x3c: {  	p2 =	seq.s32 s10, $0x1;
	s10 =	sld [smem:$0x3FB9]  }
0x3d: {  	_ =	shalt  }
0x3e: {  	_ =	shalt  }
0x3f: {  	_ =	shalt  }
0x40: {  	_ =	shalt  }
0x41: {  	_ =	shalt  }
0x42: {  	_ =	shalt  }
0x43: {  	_ =	shalt  }
0x44: {  	_ =	shalt  }
0x45: {  	_ =	shalt  }
0x46: {  	_ =	shalt  }
0x47: {  	_ =	shalt  }
0x48: {  	_ =	shalt  }
0x49: {  	_ =	shalt  }
0x4a: {  	_ =	shalt  }
0x4b: {  	_ =	shalt  }
0x4c: {  	_ =	shalt  }
0x4d: {  	_ =	shalt  }
0x4e: {  	_ =	shalt  }
0x4f: {  	_ =	shalt  }
0x50: {  	_ =	shalt  }
0x51: {  	_ =	shalt  }
0x52: {  	_ =	shalt  }
0x53: {  	_ =	shalt  }
0x54: {  	_ =	shalt  }
0x55: {  	_ =	shalt  }
0x56: {  	_ =	shalt  }
0x57: {  	_ =	shalt  }
0x58: {  	_ =	shalt  }
0x59: {  	_ =	shalt  }
0x5a: {  	_ =	shalt  }
0x5b: {  	_ =	shalt  }
0x5c: {  	_ =	shalt  }
0x5d: {  	_ =	shalt  }
0x5e: {  	_ =	shalt  }
0x5f: {  	_ =	shalt  }
0x60: {  	_ =	shalt  }
0x61: {  	_ =	shalt  }
0x62: {  	_ =	shalt  }
0x63: {  	_ =	shalt  }
0x64: {  	_ =	shalt  }
0x65: {  	_ =	shalt  }
0x66: {  	_ =	shalt  }
0x67: {  	_ =	shalt  }
0x68: {  	_ =	shalt  }
0x69: {  	_ =	shalt  }
0x6a: {  	_ =	shalt  }
0x6b: {  	_ =	shalt  }
0x6c: {  	_ =	shalt  }
0x6d: {  	_ =	shalt  }
0x6e: {  	_ =	shalt  }
0x6f: {  	_ =	shalt  }
0x70: {  	_ =	shalt  }
0x71: {  	_ =	shalt  }
0x72: {  	_ =	shalt  }
0x73: {  	_ =	shalt  }
0x74: {  	_ =	shalt  }
0x75: {  	_ =	shalt  }
0x76: {  	_ =	shalt  }
0x77: {  	_ =	shalt  }
0x78: {  	_ =	shalt  }
0x79: {  	_ =	shalt  }
0x7a: {  	_ =	shalt  }
0x7b: {  	_ =	shalt  }
0x7c: {  	_ =	shalt  }
0x7d: {  	_ =	shalt  }
0x7e: {  	_ =	shalt  }
0x7f: {  	_ =	shalt  }
0x80: {  	_ =	shalt  }
0x81: {  	_ =	shalt  }
0x82: {  	_ =	shalt  }
0x83: {  	_ =	shalt  }
0x84: {  	_ =	shalt  }
0x85: {  	_ =	shalt  }
0x86: {  	_ =	shalt  }
0x87: {  	_ =	shalt  }
.Lfunc_end0:
.L_simem_size_0:
called_computation_lowered:
.L_overlay_start_0:
0x88: {  	s2 =	sld [smem:$0x3FD9]  }
0x89: {  	s3 =	sld [smem:$0x3FFE];
	_ =	sdelay $0x1  }
0x8a: {  	s1 =	srdreg.scid  }
0x8b: {  	s0 =	sand.u32 $0x1, s1  }
0x8c: {  	s18 =	sshll.u32 s0, $0xA;
	s2 =	sadd.s32 s3, s2  }
0x8d: {  	s2 =	sadd.s32 s2, s18  }
0x8e: {  	[smem:$0x3FC5] =	sst s2  }
0x8f: {  	_ = 	snop  }
0x90: {  	s2 =	sld [smem:$0x3FC9]  }
0x91: {  	s19 =	sld [smem:$0x3FC8]  }
0x92: {  	s4 =	sld [smem:$0x3FC7]  }
0x93: {  	s5 =	sld [smem:$0x3FD0];
	(tm) =	ssettm $0x1  }
0x94: {  	s6 =	sld [smem:$0x3FFB];
	_ =	sdelay $0x3  }
0x95: {  	_ =	strace s6  }
0x96: {  	s6 =	sld [smem:$0x3FFC];
	_ =	sdelay $0x3  }
0x97: {  	_ =	strace s6  }
0x98: {  	s6 =	sld [smem:$0x3FFD];
	_ =	sdelay $0x3  }
0x99: {  	_ =	strace s6  }
0x9a: {  	_ =	strace $0x8FFFFFFF  }
0x9b: {  	s20 =	sld [smem:$0x3FDB];
	_ =	sdelay $0x1  }
0x9c: {  	s7 =	simm.s32 $_scs_section_size  }
0x9d: {  	s8 =	simm.s32 $_size__tile_overlayer_lowered;
	s9 =	simm.s32 $_tile_overlayer_lowered  }
0x9e: {  	s23 =	simm.s32 $0x1BFF;
	s22 =	sshll.u32 s9, $0x1;
	s6 =	sadd.s32 s7, s20  }
0x9f: {  	s10 =	simm.s32 $0x0;
	s21 =	sshll.u32 s8, $0x1;
	s8 =	sadd.s32 s22, s6  }
0xa0: {  	[timem:s10], [sflag:s23] =	dma.local [hbm:s8], s21  }
0xa1: {  	_ =	swait.ge [sflag:s23], s21  }
0xa2: {  	s7 =	ssub.s32 $0x0, s21;
	[sflag:s23] =	ssyncset.done $0x0  }
0xa3: {  	[sflag:s23] =	ssyncadd.s32 s7;
	_ =	sdelay $0x1  }
0xa4: {  	s24 =	simm.s32 $0x1B8B  }
0xa5: {  	_ =	swait.ge [sflag:s24], $0x1  }
0xa6: {  	[sflag:s24] =	ssyncset.done $0x0  }
0xa7: {  	s25 =	simm.s32 $0x1B8E;
	[sflag:s24] =	ssyncadd.s32 $0xFFFFFFFF  }
0xa8: {  	s26 =	simm.s32 $execute0_lowered;
	[smem:$0x3FD2] =	sst s25  }
0xa9: {  	s7 =	sshll.u32 s26, $0x1;
	_ =	strace $0x80000046;
	[dreg:$0x1] =	wrdreg $0xFFFFFFFF  }
0xaa: {  	s28 =	simm.s32 $_size_execute0_lowered;
	s6 =	sadd.s32 s6, s7;
	[dreg:$0x0] =	wrdreg $0x0  }
0xab: {  	s7 =	sshll.u32 s28, $0x1;
	[dreg:$0x2] =	wrdreg s6  }
0xac: {  	[dreg:$0x3] =	wrdreg s7  }
0xad: {  	[dreg:$0x4] =	wrdreg $0xC0  }
0xae: {  	_ =	task [dreg:s10], $0x5FFFF  }
0xaf: {  	[dreg:$0x1] =	wrdreg $0xFFFFFFFF  }
0xb0: {  	[dreg:$0x0] =	wrdreg $0x60  }
0xb1: {  	[dreg:$0x2] =	wrdreg s2  }
0xb2: {  	[dreg:$0x3] =	wrdreg s19  }
0xb3: {  	[dreg:$0x4] =	wrdreg s4  }
0xb4: {  	[dreg:$0x5] =	wrdreg s5  }
0xb5: {  	[dreg:$0x6] =	wrdreg $0x0  }
0xb6: {  	[dreg:$0x7] =	wrdreg $0x9C400  }
0xb7: {  	[dreg:$0x8] =	wrdreg $0x9  }
0xb8: {  	_ =	task.clear_ibuf [dreg:s10], $0x9FFFF;
	_ =	strace $0x90000046  }
0xb9: {  	s29 =	simm.s32 $0x9;
	_ =	strace $0x80000048  }
0xba: {  	_ =	swait.ge [sflag:s29], $0x1  }
0xbb: {  	[sflag:s29] =	ssyncadd.s32 $0xFFFFFFFF  }
0xbc: {  	_ =	strace $0x90000048  }
0xbd: {  	_ =	sfence  }
0xbe: {  	s30 =	sld [smem:$0x0];
	_ =	sdelay $0x2  }
0xbf: {  	s31 =	sshll.u32 s1, $0xD;
	s1 =	sshrl.u32 s1, $0x2  }
0xc0: {  	s3 =	sand.u32 $0x4000, s31;
	s1 =	sadd.s32 s1, s30  }
0xc1: {  	s0 =	sor.u32 s3, s0;
	s1 =	sshll.u32 s1, $0x11  }
0xc2: {  	s0 =	sor.u32 s1, s0  }
0xc3: {  	s0 =	sadd.s32 $0x8F2B, s0  }
0xc4: {  	[sflag:s0] =	ssyncadd.remote.s32 $0x1  }
0xc5: {  	_ =	sfence.sel $0xFFFF  }
0xc6: {  	[dreg:$0x0] =	wrdreg $0xFFFFFFFF;
	(pc) =	sbr.abs _section_cstart, $3  }
0xc7: {  	[dreg:$0x1] =	wrdreg $0xFFFFFFFF  }
0xc8: {  	_ =	task.clear_ibuf [dreg:s10], $0x2FFFF;
	_ =	strace $0x9FFFFFFF  }
0xc9: {  	(tm) =	ssettm $0x7FFFFFFF  }
tec
execute0_lowered:
.L_overlay_start_1:
0x0: {  	(tag) =	ssettag $0x1  }
0x1: {  	s5 =	rddreg [dreg:$0x0]  }
0x2: {  	s7 =	rddreg [dreg:$0x1]  }
0x3: {  	s8 =	rddreg [dreg:$0x2]  }
0x4: {  	s9 =	rddreg [dreg:$0x3]  }
0x5: {  	s1 =	rddreg [dreg:$0x4]  }
0x6: {  	s3 =	rddreg [dreg:$0x5]  }
0x7: {  	s0 =	rddreg [dreg:$0x6];
	s6 =	srdreg.scid  }
0x8: {  	s4 =	simm.s32 $0x0;
	s2 =	stileid.u32;
	s15 =	simm.s32 $0x3  }
0x9: {  	s17 =	simm.s32 $0x13880;
	s18 =	simm.s32 $0x186A0;
	s19 =	simm.s32 $0x50  }
0xa: {  	s20 =	simm.s32 $0x1D4C0;
	s21 =	simm.s32 $0x1E8C0;
	s22 =	simm.s32 $0x2  }
0xb: {  	s23 =	simm.s32 $0x18650;
	s24 =	simm.s32 $0x1D420;
	s25 =	simm.s32 $0x1D470  }
0xc: {  	s26 =	simm.s32 $0x0;
	s6 =	sand.u32 $0x1, s6;
	s11 =	smul.u32 $0x13880, s2  }
0xd: {  	[smem:$0x7FF] =	sst s4;
	s29 =	smul.u32 $0x9C40, s2;
	s31 =	sshll.u32 s2, $0x6  }
0xe: {  	s13 =	smul.u32 $0x9C4, s2;
	s10 =	ssub.s32 $0x2, s6;
	s6 =	sshll.u32 s6, $0x6  }
0xf: {  	_ =	strace $0x80000047;
	s12 =	sshrl.u32 s10, $0x1;
	s6 =	sor.u32 s6, s11  }
0x10: {  	s14 =	sadd.s32 s29, s1;
	s16 =	sadd.s32 s29, s3;
	s7 =	sadd.s32 s7, s13  }
0x11: {  	s8 =	sadd.s32 s8, s13;
	s13 =	simm.s32 $0x8;
	s10 =	ssub.s32 s10, s12  }
0x12: {  	s30 =	sshrl.u32 s6, $0x3;
	s6 =	sor.u32 $0x1C03, s31;
	s11 =	sshrl.u32 s14, $0x3  }
0x13: {  	s12 =	simm.s32 $0x1;
	s14 =	simm.s32 $0x10;
	s16 =	sshrl.u32 s16, $0x3  }
0x14: {  	s5 =	sadd.s32 s5, s30;
	s9 =	sadd.s32 s9, s30;
	s10 =	smax.u32 s10, $0x1  }
.LBB2_1:
0x15: {  	[spmem:s11@s13], [sflag:s6] =	dma.strided [hbm:s5@s14], $0x1388, s12, $0x8   }
0x16: {  	_ =	swait.ge [sflag:s15], $0x1388  }
0x17: {  	[sflag:s15] =	ssyncset.done $0x0  }
0x18: {  	[sflag:s15] =	ssyncadd.s32 $0xFFFFEC78  }
0x19: {  	[spmem:s16@s13], [sflag:s6] =	dma.strided [hbm:s5@s14], $0x1388, s12, $0x8   }
0x1a: {  	_ =	swait.ge [sflag:s15], $0x1388  }
0x1b: {  	[sflag:s15] =	ssyncset.done $0x0  }
0x1c: {  	[sflag:s15] =	ssyncadd.s32 $0xFFFFEC78  }
0x1d: {  	[bflag:$0x0] =	sbarrier.arrive $0xFFFF  }
0x1e: {  	[tilespmem:s17], [sflag:$0x3] =	stream.linear.gather [hbm4b:s7+s4], $0x4E20, $0x38;
	[tilespmem:$0x1FCC0] =	vst v63  }
0x1f: {  	_ =	swait.ge [sflag:s15], $0x4E20  }
0x20: {  	[sflag:s15] =	ssyncset.done $0x0  }
0x21: {  	[sflag:s15] =	ssyncadd.s32 $0xFFFFB1E0  }
0x22: {  	[tilespmem:s18], [sflag:$0x3] =	stream.linear.gather [hbm4b:s8+s4], $0x4E20, $0x38;
	[tilespmem:$0x1FCC0] =	vst v63  }
0x23: {  	_ =	swait.ge [sflag:s15], $0x4E20  }
0x24: {  	[sflag:s15] =	ssyncset.done $0x0  }
0x25: {  	[sflag:s15] =	ssyncadd.s32 $0xFFFFB1E0  }
0x26: {  	[tilespmem:s20], [sflag:$0x1] =	stream.indirect.gather [spmem:s1], $0x40, s17, s19, $0xb8;
	[tilespmem:$0x1FCC0] =	vst v63  }
0x27: {  	_ =	swait.ge [sflag:s12], $0x1400  }
0x28: {  	[sflag:s12] =	ssyncset.done $0x0  }
0x29: {  	s28 =	simm.s32 $0x138D0;
	[sflag:s12] =	ssyncadd.s32 $0xFFFFEC00  }
0x2a: {  	[tilespmem:s21], [sflag:$0x2] =	stream.indirect.gather [spmem:s1], $0x40, s28, s19, $0xb8;
	[tilespmem:$0x1FCC0] =	vst v63  }
0x2b: {  	s28 =	simm.s32 $0x186A0  }
0x2c: {  	[spmem:s3] =	stream.indirect.scatter.add.f32 [tilespmem:s20], [sflag:$0x3], $0x40, s28, s19, $0xb8;
	[tilespmem:$0x1FCC0] =	vst v63  }
0x2d: {  	_ =	swait.ge [sflag:s15], $0x1400  }
0x2e: {  	[sflag:s15] =	ssyncset.done $0x0  }
0x2f: {  	[sflag:s15] =	ssyncadd.s32 $0xFFFFEC00  }
0x30: {  	_ =	swait.ge [sflag:s22], $0x1400  }
0x31: {  	[sflag:s22] =	ssyncset.done $0x0  }
0x32: {  	s28 =	simm.s32 $0x13920;
	[sflag:s22] =	ssyncadd.s32 $0xFFFFEC00  }
0x33: {  	[tilespmem:s20], [sflag:$0x1] =	stream.indirect.gather [spmem:s1], $0x40, s28, s19, $0xb8;
	[tilespmem:$0x1FCC0] =	vst v63  }
0x34: {  	s28 =	simm.s32 $0x186F0  }
0x35: {  	[spmem:s3] =	stream.indirect.scatter.add.f32 [tilespmem:s21], [sflag:$0x3], $0x40, s28, s19, $0xb8;
	[tilespmem:$0x1FCC0] =	vst v63  }
0x36: {  	_ =	swait.ge [sflag:s15], $0x1400  }
0x37: {  	s28 =	simm.s32 $0x280;
	[sflag:s15] =	ssyncset.done $0x0  }
.LBB2_2:
0x38: {  	p0 =	sne.s32 s28, $0x13380  }
0x39: {  	[sflag:s15] =	ssyncadd.s32 $0xFFFFEC00;
	s29 =	smov.u32 s28;
	s28 =	sadd.s32 $0x280, s28  }
0x3a: {  	_ = 	snop  }
0x3b: {  	_ =	swait.ge [sflag:s12], $0x1400  }
0x3c: {  	s29 =	sshra.s32 s29, $0x2;
	[sflag:s12] =	ssyncset.done $0x0  }
0x3d: {  	s30 =	sadd.s32 $0x138D0, s29;
	[sflag:s12] =	ssyncadd.s32 $0xFFFFEC00  }
0x3e: {  	[tilespmem:s21], [sflag:$0x2] =	stream.indirect.gather [spmem:s1], $0x40, s30, s19, $0xb8;
	[tilespmem:$0x1FCC0] =	vst v63  }
0x3f: {  	s30 =	sadd.s32 $0x186A0, s29  }
0x40: {  	[spmem:s3] =	stream.indirect.scatter.add.f32 [tilespmem:s20], [sflag:$0x3], $0x40, s30, s19, $0xb8;
	[tilespmem:$0x1FCC0] =	vst v63  }
0x41: {  	_ =	swait.ge [sflag:s15], $0x1400  }
0x42: {  	[sflag:s15] =	ssyncset.done $0x0  }
0x43: {  	[sflag:s15] =	ssyncadd.s32 $0xFFFFEC00  }
0x44: {  	_ =	swait.ge [sflag:s22], $0x1400  }
0x45: {  	[sflag:s22] =	ssyncset.done $0x0  }
0x46: {  	s30 =	sadd.s32 $0x13920, s29;
	[sflag:s22] =	ssyncadd.s32 $0xFFFFEC00  }
0x47: {  	[tilespmem:s20], [sflag:$0x1] =	stream.indirect.gather [spmem:s1], $0x40, s30, s19, $0xb8;
	[tilespmem:$0x1FCC0] =	vst v63  }
.Ltmp0:
0x48: {  	_ = 	snop;
	(pc) =	sbr.rel @p0 .LBB2_2-.Ltmp0, $4  }
0x49: {  	s29 =	sadd.s32 $0x186F0, s29  }
0x4a: {  	[spmem:s3] =	stream.indirect.scatter.add.f32 [tilespmem:s21], [sflag:$0x3], $0x40, s29, s19, $0xb8;
	[tilespmem:$0x1FCC0] =	vst v63  }
0x4b: {  	_ =	swait.ge [sflag:s15], $0x1400  }
0x4c: {  	[sflag:s15] =	ssyncset.done $0x0  }
0x4d: {  	[sflag:s15] =	ssyncadd.s32 $0xFFFFEC00  }
0x4e: {  	_ =	swait.ge [sflag:s12], $0x1400  }
0x4f: {  	[sflag:s12] =	ssyncset.done $0x0  }
0x50: {  	[sflag:s12] =	ssyncadd.s32 $0xFFFFEC00  }
0x51: {  	[tilespmem:s21], [sflag:$0x2] =	stream.indirect.gather [spmem:s1], $0x40, s23, s19, $0xb8;
	[tilespmem:$0x1FCC0] =	vst v63  }
0x52: {  	_ = 	snop  }
0x53: {  	[spmem:s3] =	stream.indirect.scatter.add.f32 [tilespmem:s20], [sflag:$0x3], $0x40, s24, s19, $0xb8;
	[tilespmem:$0x1FCC0] =	vst v63  }
0x54: {  	_ =	swait.ge [sflag:s15], $0x1400  }
0x55: {  	[sflag:s15] =	ssyncset.done $0x0  }
0x56: {  	[sflag:s15] =	ssyncadd.s32 $0xFFFFEC00  }
0x57: {  	_ =	swait.ge [sflag:s22], $0x1400  }
0x58: {  	[sflag:s22] =	ssyncset.done $0x0  }
0x59: {  	[sflag:s22] =	ssyncadd.s32 $0xFFFFEC00  }
0x5a: {  	[spmem:s3] =	stream.indirect.scatter.add.f32 [tilespmem:s21], [sflag:$0x3], $0x40, s25, s19, $0xb8;
	[tilespmem:$0x1FCC0] =	vst v63  }
0x5b: {  	_ =	swait.ge [sflag:s15], $0x1400  }
0x5c: {  	s26 =	sadd.s32 $0x1, s26;
	[sflag:s15] =	ssyncset.done $0x0  }
0x5d: {  	p0 =	sne.s32 s26, s10;
	[sflag:s15] =	ssyncadd.s32 $0xFFFFEC00  }
.Ltmp1:
0x5e: {  	[bflag:$0x0] =	sbarrier.arrive $0xFFFF;
	(pc) =	sbr.rel @p0 .LBB2_1-.Ltmp1, $4  }
0x5f: {  	[hbm:s9@s14], [sflag:s6] =	dma.strided [spmem:s16@s13], $0x1388, s12, $0x8   }
0x60: {  	_ =	swait.ge [sflag:s15], $0x1388  }
0x61: {  	[sflag:s15] =	ssyncset.done $0x0  }
0x62: {  	[sflag:s15] =	ssyncadd.s32 $0xFFFFEC78  }
0x63: {  	_ =	sfence.sel $0x180000  }
0x64: {  	[bflag:$0x0] =	sbarrier.arrive $0xFFFF  }
0x65: {  	p0 =	sne.s32 s2, $0x0;
	_ =	strace $0x90000047  }
0x66: {  	s0 =	sadd.s32 @!p0 $0x100000, s0;
	[bflag:$0x2] =	sbarrier.arrive $0xFFFF  }
0x67: {  	[sflag:s0] =	ssyncadd.tile.s32 @!p0 $0x1;
	_ =	shalt  }
.Lfunc_end2:
_tile_overlayer_lowered:
.L_overlay_start_2:
0x68: {  	(tag) =	ssettag $0x2  }
0x69: {  	s0 =	rddreg [dreg:$0x0];
	s2 =	stileid.u32  }
0x6a: {  	s1 =	rddreg [dreg:$0x1];
	p0 =	sne.s32 s2, $0x0  }
0x6b: {  	s3 =	rddreg [dreg:$0x2];
	[bflag:$0x3] =	sbarrier.arrive $0xFFFF;
	s2 =	simm.s32 @!p0 $0x1C03  }
0x6c: {  	[timem:s3], [sflag:s2] =	dma.local @!p0 [hbm:s0], s1  }
0x6d: {  	s0 =	simm.s32 @!p0 $0x3  }
0x6e: {  	_ =	swait.ge @!p0 [sflag:s0], s1  }
0x6f: {  	s1 =	ssub.s32 @!p0 $0x0, s1;
	[sflag:s0] =	ssyncset.done @!p0 $0x0  }
0x70: {  	[sflag:s0] =	ssyncadd.s32 @!p0 s1  }
0x71: {  	[bflag:$0x3] =	sbarrier.arrive $0xFFFF  }
0x72: {  	_ =	shalt  }

</sc_bundles>
